<compile_context>
chip_gen: v7x
topology: tpu7x:2x2x1
jax: 0.10.2.dev20260603
libtpu: 0.0.44.dev20260713+nightly
codegen_flags: <defaults>
</compile_context>

<pallas_src>
import numpy as np
import jax
import jax.numpy as jnp
from jax.experimental import pallas as pl
from jax.experimental.pallas import tpu as pltpu

_N = 400
_B = 16
_HC = 32
_TRIU1 = _N * (_N - 1) // 2
_TRIU0 = _N * (_N + 1) // 2
_K = max(1, int(_TRIU1 * 0.05))
_EPS = 1e-5
_S = float(np.sqrt(1.0 + _EPS))
_IU0, _JU0 = np.triu_indices(_N, 0)

_KBLK = 8192
_NKB = -(-_TRIU0 // _KBLK)


def _thresh_kernel(x_ref, tn_ref):
    xb = x_ref[...]
    bits = jax.lax.bitcast_convert_type(xb, jnp.int32)
    key = bits ^ jnp.where(bits < 0, jnp.int32(0x7FFFFFFF), jnp.int32(0))
    row = jax.lax.broadcasted_iota(jnp.int32, (_B, _N, _N), 1)
    col = jax.lax.broadcasted_iota(jnp.int32, (_B, _N, _N), 2)
    neg_inf = jnp.int32(-2147483648)
    key_m = jnp.where(col > row, key, neg_inf)

    def bit_step(i, t):
        cand = t + (jnp.int32(1) << (jnp.int32(31) - i))
        cnt = jnp.sum((key_m >= cand[:, None, None]).astype(jnp.int32),
                      axis=(1, 2))
        return jnp.where(cnt >= _K, cand, t)

    t = jax.lax.fori_loop(
        0, 32, bit_step, jnp.full((_B,), neg_inf, jnp.int32))
    cnt_gt = jnp.sum((key_m > t[:, None, None]).astype(jnp.int32),
                     axis=(1, 2))
    need_eq = _K - cnt_gt
    ci = jax.lax.broadcasted_iota(jnp.int32, (_B, 8), 1)
    tn_ref[...] = jnp.where(ci == 0, t[:, None],
                            jnp.where(ci == 1, need_eq[:, None], 0))


def _graph_kernel(x_ref, tn_ref, w1_ref, b1_ref, w2_ref, b2_ref, hm_ref):
    xb = x_ref[0]
    bits = jax.lax.bitcast_convert_type(xb, jnp.int32)
    key = bits ^ jnp.where(bits < 0, jnp.int32(0x7FFFFFFF), jnp.int32(0))
    row = jax.lax.broadcasted_iota(jnp.int32, (_N, _N), 0)
    col = jax.lax.broadcasted_iota(jnp.int32, (_N, _N), 1)
    upper = col > row
    neg_inf = jnp.int32(-2147483648)
    key_m = jnp.where(upper, key, neg_inf)

    t = tn_ref[0, 0, 0]
    need_eq = tn_ref[0, 0, 1]

    eq = (key_m == t).astype(jnp.float32)
    upper_f = upper.astype(jnp.float32)
    cum_in_row = jax.lax.dot_general(
        eq, upper_f, (((1,), (0,)), ((), ())),
        preferred_element_type=jnp.float32)
    row_tot = jnp.sum(eq, axis=1)
    base = jax.lax.dot_general(
        row_tot, upper_f, (((0,), (0,)), ((), ())),
        preferred_element_type=jnp.float32)
    rank = base[:, None] + cum_in_row
    keep_tie = (eq > 0.0) & (rank < need_eq.astype(jnp.float32))
    sel = jnp.where((key_m > t) | keep_tie, 1.0, 0.0)

    asym = sel + sel.T + jnp.where(col == row, 1.0, 0.0)
    deg = jnp.sum(sel + sel.T, axis=1) + 1.0
    dinv = jax.lax.rsqrt(deg)
    anorm = dinv[:, None] * asym * dinv[None, :]

    xw1 = jax.lax.dot_general(xb, w1_ref[...], (((1,), (1,)), ((), ())),
                              preferred_element_type=jnp.float32)
    h1 = jnp.tanh(jax.lax.dot_general(anorm, xw1, (((1,), (0,)), ((), ())),
                                      preferred_element_type=jnp.float32)
                  + b1_ref[0][None, :])
    xw2 = jax.lax.dot_general(h1, w2_ref[...], (((1,), (1,)), ((), ())),
                              preferred_element_type=jnp.float32)
    h2 = jnp.tanh(jax.lax.dot_general(anorm, xw2, (((1,), (0,)), ((), ())),
                                      preferred_element_type=jnp.float32)
                  + b2_ref[0][None, :])
    hm_ref[0, 0] = jnp.concatenate(
        [jnp.mean(h1, axis=0), jnp.mean(h2, axis=0)], axis=0)


def _mlp_kernel(f_ref, w_ref, hm_ref, wh_ref, w2m_ref, b2m_ref, wp_ref,
                bp_ref, b1m_ref, out_ref, acc_ref):
    k = pl.program_id(0)

    @pl.when(k == 0)
    def _():
        acc_ref[...] = jnp.zeros_like(acc_ref)

    limit = jnp.int32(_TRIU0) - k * _KBLK
    col = jax.lax.broadcasted_iota(jnp.int32, (64, _KBLK), 1)
    wblk = jnp.where(col < limit, w_ref[...], 0.0)
    colf = jax.lax.broadcasted_iota(jnp.int32, (_B, _KBLK), 1)
    fblk = jnp.where(colf < limit, f_ref[...], 0.0)
    acc_ref[...] += jax.lax.dot_general(
        fblk, wblk, (((1,), (1,)), ((), ())),
        preferred_element_type=jnp.float32)

    @pl.when(k == _NKB - 1)
    def _():
        acc = acc_ref[...] + jax.lax.dot_general(
            hm_ref[...], wh_ref[...], (((1,), (1,)), ((), ())),
            preferred_element_type=jnp.float32)
        z1 = jax.nn.relu(acc * (1.0 / (1.0 + _EPS))
                         + b1m_ref[0][None, :] * (1.0 / _S))
        z2 = jax.lax.dot_general(z1, w2m_ref[...], (((1,), (1,)), ((), ())),
                                 preferred_element_type=jnp.float32)
        z2 = jax.nn.relu((z2 + b2m_ref[0][None, :]) * (1.0 / _S))
        z3 = jax.lax.dot_general(z2, wp_ref[...], (((1,), (1,)), ((), ())),
                                 preferred_element_type=jnp.float32)
        out_ref[...] = jax.nn.relu(z3 + bp_ref[0][None, :])


def kernel(x, W1, b1, W2, b2, mlp_W1, mlp_b1, mlp_W2, mlp_b2, proj_W, proj_b):
    tn = pl.pallas_call(
        _thresh_kernel,
        out_shape=jax.ShapeDtypeStruct((_B, 8), jnp.int32),
    )(x)

    hm = pl.pallas_call(
        _graph_kernel,
        grid=(_B,),
        in_specs=[
            pl.BlockSpec((1, _N, _N), lambda b: (b, 0, 0)),
            pl.BlockSpec((1, 1, 8), lambda b: (b, 0, 0)),
            pl.BlockSpec((_HC, _N), lambda b: (0, 0)),
            pl.BlockSpec((1, _HC), lambda b: (0, 0)),
            pl.BlockSpec((_HC, _HC), lambda b: (0, 0)),
            pl.BlockSpec((1, _HC), lambda b: (0, 0)),
        ],
        out_specs=pl.BlockSpec((1, 1, 2 * _HC), lambda b: (b, 0, 0)),
        out_shape=jax.ShapeDtypeStruct((_B, 1, 2 * _HC), jnp.float32),
    )(x, tn.reshape(_B, 1, 8), W1, b1.reshape(1, _HC), W2,
      b2.reshape(1, _HC))

    flat_idx = jnp.asarray(_IU0 * _N + _JU0, jnp.int32)
    triu_feats = jnp.take(x.reshape(_B, _N * _N), flat_idx,
                          axis=1)

    out = pl.pallas_call(
        _mlp_kernel,
        grid=(_NKB,),
        in_specs=[
            pl.BlockSpec((_B, _KBLK), lambda k: (0, k)),
            pl.BlockSpec((64, _KBLK), lambda k: (0, k)),
            pl.BlockSpec((_B, 2 * _HC), lambda k: (0, 0)),
            pl.BlockSpec((64, 2 * _HC), lambda k: (0, 0)),
            pl.BlockSpec((32, 64), lambda k: (0, 0)),
            pl.BlockSpec((1, 32), lambda k: (0, 0)),
            pl.BlockSpec((256, 32), lambda k: (0, 0)),
            pl.BlockSpec((1, 256), lambda k: (0, 0)),
            pl.BlockSpec((1, 64), lambda k: (0, 0)),
        ],
        out_specs=pl.BlockSpec((_B, 256), lambda k: (0, 0)),
        out_shape=jax.ShapeDtypeStruct((_B, 256), jnp.float32),
        scratch_shapes=[pltpu.VMEM((_B, 64), jnp.float32)],
    )(triu_feats, mlp_W1, hm.reshape(_B, 2 * _HC), mlp_W1[:, _TRIU0:],
      mlp_W2, mlp_b2.reshape(1, 32), proj_W, proj_b.reshape(1, 256),
      mlp_b1.reshape(1, 64))
    return out

# --- scband reference (transcript-rebuilt; emitter-appended) ---
"""Pipeline reference for scband-brain-net-roiencoder-34806414966789 (READ-ONLY COPY).

The authoritative reference and input builder live on the scoring server;
editing this copy changes nothing except your own understanding.
"""

import jax, jax.numpy as jnp
import numpy as np

N_ROIS = 400
BATCH = 16
HC = 32
HMLP = 64
FEAT = 256
NUM_LAYERS = 2
EDGE_TOP_P = 0.05
_IU1, _JU1 = np.triu_indices(N_ROIS, 1)
_IU0, _JU0 = np.triu_indices(N_ROIS, 0)
K_EDGES = max(1, int(_IU1.shape[0] * EDGE_TOP_P))
BN_EPS = 1e-5


def _bn_eval(v):
    # BatchNorm1d in eval mode with freshly-initialized running stats
    # (running_mean=0, running_var=1, weight=1, bias=0)
    return v / np.sqrt(1.0 + BN_EPS)


def _build_edges(C):
    # top edge_top_p fraction of strict upper-triangle entries -> bidirectional edges
    iu = jnp.asarray(_IU1)
    ju = jnp.asarray(_JU1)
    vals = C[iu, ju]
    _, top = jax.lax.top_k(vals, K_EDGES)
    r = iu[top]
    c = ju[top]
    src = jnp.concatenate([r, c])
    dst = jnp.concatenate([c, r])
    return src, dst


def _gcn_conv(x, src, dst, W, b, n_nodes):
    # PyG GCNConv: lin (no bias) -> gcn_norm with self loops -> sum aggregate -> + bias
    xw = x @ W.T
    loop = jnp.arange(n_nodes, dtype=src.dtype)
    s = jnp.concatenate([src, loop])
    d = jnp.concatenate([dst, loop])
    deg = jnp.zeros((n_nodes,), jnp.float32).at[d].add(1.0)
    dinv = jnp.where(deg > 0, jax.lax.rsqrt(deg), 0.0)
    norm = dinv[s] * dinv[d]
    msg = xw[s] * norm[:, None]
    out = jnp.zeros((n_nodes, W.shape[0]), jnp.float32).at[d].add(msg)
    return out + b


def setup_inputs(seed: int = 0):
    key = jax.random.key(seed)
    ks = jax.random.split(key, 8)
    triu_len = N_ROIS * (N_ROIS + 1) // 2
    in_mlp = triu_len + HC * NUM_LAYERS
    return {
        "x": jax.random.normal(ks[0], (BATCH, N_ROIS, N_ROIS), dtype=jnp.float32),
        "W1": jax.random.normal(ks[1], (HC, N_ROIS), dtype=jnp.float32) * 0.05,
        "b1": jnp.zeros((HC,), jnp.float32),
        "W2": jax.random.normal(ks[2], (HC, HC), dtype=jnp.float32) * 0.1,
        "b2": jnp.zeros((HC,), jnp.float32),
        "mlp_W1": jax.random.normal(ks[3], (HMLP, in_mlp), dtype=jnp.float32) * 0.005,
        "mlp_b1": jnp.zeros((HMLP,), jnp.float32),
        "mlp_W2": jax.random.normal(ks[4], (HMLP // 2, HMLP), dtype=jnp.float32) * 0.1,
        "mlp_b2": jnp.zeros((HMLP // 2,), jnp.float32),
        "proj_W": jax.random.normal(ks[5], (FEAT, HMLP // 2), dtype=jnp.float32) * 0.1,
        "proj_b": jnp.zeros((FEAT,), jnp.float32),
    }


def reference(x, W1, b1, W2, b2, mlp_W1, mlp_b1, mlp_W2, mlp_b2, proj_W, proj_b):
    B, n = x.shape[0], x.shape[1]
    # build batched PyG-style graph from per-subject correlation matrices
    srcs, dsts = jax.vmap(_build_edges)(x)
    off = (jnp.arange(B, dtype=srcs.dtype) * n)[:, None]
    src = (srcs + off).reshape(-1)
    dst = (dsts + off).reshape(-1)
    n_nodes = B * n
    x_nodes = x.reshape(n_nodes, n)
    # ResidualGNNs: stacked GCN convs with tanh
    h1 = jnp.tanh(_gcn_conv(x_nodes, src, dst, W1, b1, n_nodes))
    h2 = jnp.tanh(_gcn_conv(h1, src, dst, W2, b2, n_nodes))
    # per-graph triu (incl. diagonal) features + BN
    triu_feats = x[:, _IU0, _JU0]
    xt = _bn_eval(triu_feats)
    # mean aggregation per graph of each conv output + BN
    hmean = jnp.concatenate(
        [h1.reshape(B, n, -1).mean(axis=1), h2.reshape(B, n, -1).mean(axis=1)], axis=1
    )
    hmean = _bn_eval(hmean)
    feats = jnp.concatenate([xt, hmean], axis=1)
    # mlp up to the pre-hook on the final Linear (dropout = identity in eval)
    z = jax.nn.relu(_bn_eval(feats @ mlp_W1.T + mlp_b1))
    z = jax.nn.relu(_bn_eval(z @ mlp_W2.T + mlp_b2))
    # proj head on captured pre-logit tensor
    out = jax.nn.relu(z @ proj_W.T + proj_b)
    return out

if __name__ == "__main__":
    import jax
    _d = setup_inputs()
    print(jax.jit(kernel)(*tuple(_d.values())))

</pallas_src>

<mosaic_0001>
module attributes {stable_mosaic.version = 14 : i64} {
  func.func @_thresh_kernel(%arg0: memref<16x400x400xf32, #tpu.memory_space<vmem>>, %arg1: memref<16x8xi32, #tpu.memory_space<vmem>>) attributes {dimension_semantics = [], scalar_prefetch = 0 : i64, scratch_operands = 0 : i64, tpu.core_type = #tpu.core_type<tc>} {
    %get3A = arith.constant 0 : index
    %get3A_0 = arith.constant 0 : index
    %get3A_1 = arith.constant 0 : index
    %get3A_2 = vector.load %arg0[%get3A, %get3A_0, %get3A_1] : memref<16x400x400xf32, #tpu.memory_space<vmem>>, vector<16x400x400xf32>
    %bitcast_convert_type3A = tpu.bitcast %get3A_2 : vector<16x400x400xf32> -> vector<16x400x400xi32>
    %lt3A = arith.constant 0 : i32
    %lt3A_3 = vector.broadcast %lt3A : i32 to vector<16x400x400xi32>
    %lt3A_4 = arith.cmpi slt, %bitcast_convert_type3A, %lt3A_3 : vector<16x400x400xi32>
    %jit3A = arith.constant 2147483647 : i32
    %jit3A_5 = arith.constant 0 : i32
    %broadcast_in_dim3A = vector.broadcast %jit3A : i32 to vector<16x400x400xi32>
    %broadcast_in_dim3A_6 = vector.broadcast %jit3A_5 : i32 to vector<16x400x400xi32>
    %select_n3A = arith.select %lt3A_4, %broadcast_in_dim3A, %broadcast_in_dim3A_6 : vector<16x400x400xi1>, vector<16x400x400xi32>
    %xor3A = arith.xori %bitcast_convert_type3A, %select_n3A : vector<16x400x400xi32>
    %iota3A = tpu.iota {dimensions = array<i32: 1>} : vector<16x400x400xi32>
    %iota3A_7 = tpu.iota {dimensions = array<i32: 2>} : vector<16x400x400xi32>
    %gt3A = arith.cmpi sgt, %iota3A_7, %iota3A : vector<16x400x400xi32>
    %jit3A_8 = arith.constant -2147483648 : i32
    %broadcast_in_dim3A_9 = vector.broadcast %jit3A_8 : i32 to vector<16x400x400xi32>
    %select_n3A_10 = arith.select %gt3A, %xor3A, %broadcast_in_dim3A_9 : vector<16x400x400xi1>, vector<16x400x400xi32>
    %broadcast_in_dim3A_11 = arith.constant -2147483648 : i32
    %broadcast_in_dim3A_12 = vector.broadcast %broadcast_in_dim3A_11 : i32 to vector<16xi32>
    %scan3A = arith.constant 0 : i32
    %scan3A_13 = arith.constant 32 : i32
    %scan3A_14 = arith.addi %scan3A, %scan3A_13 : i32
    %scan3A_15 = arith.constant 1 : i32
    %scan3A_16 = scf.for %scan3A_42 = %scan3A to %scan3A_14 step %scan3A_15 iter_args(%scan3A_43 = %broadcast_in_dim3A_12) -> (vector<16xi32>)  : i32 {
      %sub3A_44 = arith.constant 31 : i32
      %sub3A_45 = arith.subi %sub3A_44, %scan3A_42 : i32
      %shift_left3A = arith.constant 1 : i32
      %shift_left3A_46 = arith.shli %shift_left3A, %sub3A_45 : i32
      %add3A = vector.broadcast %shift_left3A_46 : i32 to vector<16xi32>
      %add3A_47 = arith.addi %scan3A_43, %add3A : vector<16xi32>
      %broadcast_in_dim3A_48 = vector.shape_cast %add3A_47 : vector<16xi32> to vector<16x1x1xi32>
      %ge3A = vector.broadcast %broadcast_in_dim3A_48 : vector<16x1x1xi32> to vector<16x400x400xi32>
      %ge3A_49 = arith.cmpi sge, %select_n3A_10, %ge3A : vector<16x400x400xi32>
      %convert_element_type3A_50 = arith.extui %ge3A_49 : vector<16x400x400xi1> to vector<16x400x400xi32>
      %reduce_sum3A_51 = arith.constant dense<0> : vector<16xi32>
      %reduce_sum3A_52 = vector.multi_reduction <add>, %convert_element_type3A_50, %reduce_sum3A_51 [1, 2] : vector<16x400x400xi32> to vector<16xi32>
      %ge3A_53 = arith.constant 3990 : i32
      %ge3A_54 = vector.broadcast %ge3A_53 : i32 to vector<16xi32>
      %ge3A_55 = arith.cmpi sge, %reduce_sum3A_52, %ge3A_54 : vector<16xi32>
      %select_n3A_56 = arith.select %ge3A_55, %add3A_47, %scan3A_43 : vector<16xi1>, vector<16xi32>
      scf.yield %select_n3A_56 : vector<16xi32>
    }
    %scan3A_17 = arith.constant 32 : i32
    %broadcast_in_dim3A_18 = vector.shape_cast %scan3A_16 : vector<16xi32> to vector<16x1x1xi32>
    %gt3A_19 = vector.broadcast %broadcast_in_dim3A_18 : vector<16x1x1xi32> to vector<16x400x400xi32>
    %gt3A_20 = arith.cmpi sgt, %select_n3A_10, %gt3A_19 : vector<16x400x400xi32>
    %convert_element_type3A = arith.extui %gt3A_20 : vector<16x400x400xi1> to vector<16x400x400xi32>
    %reduce_sum3A = arith.constant dense<0> : vector<16xi32>
    %reduce_sum3A_21 = vector.multi_reduction <add>, %convert_element_type3A, %reduce_sum3A [1, 2] : vector<16x400x400xi32> to vector<16xi32>
    %sub3A = arith.constant 3990 : i32
    %sub3A_22 = vector.broadcast %sub3A : i32 to vector<16xi32>
    %sub3A_23 = arith.subi %sub3A_22, %reduce_sum3A_21 : vector<16xi32>
    %iota3A_24 = tpu.iota {dimensions = array<i32: 1>} : vector<16x8xi32>
    %eq3A = arith.constant 0 : i32
    %eq3A_25 = vector.broadcast %eq3A : i32 to vector<16x8xi32>
    %eq3A_26 = arith.cmpi eq, %iota3A_24, %eq3A_25 : vector<16x8xi32>
    %broadcast_in_dim3A_27 = vector.shape_cast %scan3A_16 : vector<16xi32> to vector<16x1xi32>
    %eq3A_28 = arith.constant 1 : i32
    %eq3A_29 = vector.broadcast %eq3A_28 : i32 to vector<16x8xi32>
    %eq3A_30 = arith.cmpi eq, %iota3A_24, %eq3A_29 : vector<16x8xi32>
    %broadcast_in_dim3A_31 = vector.shape_cast %sub3A_23 : vector<16xi32> to vector<16x1xi32>
    %jit3A_32 = arith.constant 0 : i32
    %broadcast_in_dim3A_33 = vector.shape_cast %broadcast_in_dim3A_31 : vector<16x1xi32> to vector<16x1xi32>
    %broadcast_in_dim3A_34 = vector.broadcast %broadcast_in_dim3A_33 : vector<16x1xi32> to vector<16x8xi32>
    %broadcast_in_dim3A_35 = vector.broadcast %jit3A_32 : i32 to vector<16x8xi32>
    %select_n3A_36 = arith.select %eq3A_30, %broadcast_in_dim3A_34, %broadcast_in_dim3A_35 : vector<16x8xi1>, vector<16x8xi32>
    %broadcast_in_dim3A_37 = vector.shape_cast %broadcast_in_dim3A_27 : vector<16x1xi32> to vector<16x1xi32>
    %broadcast_in_dim3A_38 = vector.broadcast %broadcast_in_dim3A_37 : vector<16x1xi32> to vector<16x8xi32>
    %select_n3A_39 = arith.select %eq3A_26, %broadcast_in_dim3A_38, %select_n3A_36 : vector<16x8xi1>, vector<16x8xi32>
    %swap3A = arith.constant 0 : index
    %swap3A_40 = arith.constant 0 : index
    %swap3A_41 = vector.load %arg1[%swap3A, %swap3A_40] : memref<16x8xi32, #tpu.memory_space<vmem>>, vector<16x8xi32>
    tpu.vector_store %arg1[%swap3A, %swap3A_40], %select_n3A_39 {strides = array<i32>} : memref<16x8xi32, #tpu.memory_space<vmem>>, vector<16x8xi32>,
    return
  }
}

module attributes {stable_mosaic.version = 14 : i64} {
  func.func @_graph_kernel(%arg0: i32, %arg1: memref<1x400x400xf32, #tpu.memory_space<vmem>>, %arg2: memref<1x1x8xi32, #tpu.memory_space<vmem>>, %arg3: memref<32x400xf32, #tpu.memory_space<vmem>>, %arg4: memref<1x32xf32, #tpu.memory_space<vmem>>, %arg5: memref<32x32xf32, #tpu.memory_space<vmem>>, %arg6: memref<1x32xf32, #tpu.memory_space<vmem>>, %arg7: memref<1x1x64xf32, #tpu.memory_space<vmem>>) attributes {dimension_semantics = [#tpu.dimension_semantics<arbitrary>], iteration_bounds = array<i64: 16>, scalar_prefetch = 0 : i64, scratch_operands = 0 : i64, tpu.core_type = #tpu.core_type<tc>, window_params = [{transform_indices = @transform_0, window_bounds = array<i64: 1, 400, 400>}, {transform_indices = @transform_1, window_bounds = array<i64: 1, 1, 8>}, {pipeline_mode = #tpu.pipeline_mode<synchronous>, transform_indices = @transform_2, window_bounds = array<i64: 32, 400>}, {pipeline_mode = #tpu.pipeline_mode<synchronous>, transform_indices = @transform_3, window_bounds = array<i64: 1, 32>}, {pipeline_mode = #tpu.pipeline_mode<synchronous>, transform_indices = @transform_4, window_bounds = array<i64: 32, 32>}, {pipeline_mode = #tpu.pipeline_mode<synchronous>, transform_indices = @transform_5, window_bounds = array<i64: 1, 32>}, {transform_indices = @transform_6, window_bounds = array<i64: 1, 1, 64>}]} {
    %get3A = arith.constant 0 : index
    %get3A_0 = arith.constant 0 : index
    %get3A_1 = arith.constant 0 : index
    %get3A_2 = vector.load %arg1[%get3A, %get3A_0, %get3A_1] : memref<1x400x400xf32, #tpu.memory_space<vmem>>, vector<1x400x400xf32>
    %get3A_3 = vector.shape_cast %get3A_2 : vector<1x400x400xf32> to vector<400x400xf32>
    %bitcast_convert_type3A = tpu.bitcast %get3A_3 : vector<400x400xf32> -> vector<400x400xi32>
    %lt3A = arith.constant 0 : i32
    %lt3A_4 = vector.broadcast %lt3A : i32 to vector<400x400xi32>
    %lt3A_5 = arith.cmpi slt, %bitcast_convert_type3A, %lt3A_4 : vector<400x400xi32>
    %jit3A = arith.constant 2147483647 : i32
    %jit3A_6 = arith.constant 0 : i32
    %broadcast_in_dim3A = vector.broadcast %jit3A : i32 to vector<400x400xi32>
    %broadcast_in_dim3A_7 = vector.broadcast %jit3A_6 : i32 to vector<400x400xi32>
    %select_n3A = arith.select %lt3A_5, %broadcast_in_dim3A, %broadcast_in_dim3A_7 : vector<400x400xi1>, vector<400x400xi32>
    %xor3A = arith.xori %bitcast_convert_type3A, %select_n3A : vector<400x400xi32>
    %iota3A = tpu.iota {dimensions = array<i32: 0>} : vector<400x400xi32>
    %iota3A_8 = tpu.iota {dimensions = array<i32: 1>} : vector<400x400xi32>
    %gt3A = arith.cmpi sgt, %iota3A_8, %iota3A : vector<400x400xi32>
    %jit3A_9 = arith.constant -2147483648 : i32
    %broadcast_in_dim3A_10 = vector.broadcast %jit3A_9 : i32 to vector<400x400xi32>
    %select_n3A_11 = arith.select %gt3A, %xor3A, %broadcast_in_dim3A_10 : vector<400x400xi1>, vector<400x400xi32>
    %get3A_12 = arith.constant 0 : index
    %get3A_13 = arith.constant 0 : index
    %get3A_14 = arith.constant 0 : index
    %get3A_15 = vector.load %arg2[%get3A_12, %get3A_13, %get3A_14] : memref<1x1x8xi32, #tpu.memory_space<vmem>>, vector<1x1x1xi32>
    %get3A_16 = vector.extract %get3A_15[0, 0, 0] : i32 from vector<1x1x1xi32>
    %get3A_17 = arith.constant 0 : index
    %get3A_18 = arith.constant 0 : index
    %get3A_19 = arith.constant 1 : index
    %get3A_20 = vector.load %arg2[%get3A_17, %get3A_18, %get3A_19] : memref<1x1x8xi32, #tpu.memory_space<vmem>>, vector<1x1x1xi32>
    %get3A_21 = vector.extract %get3A_20[0, 0, 0] : i32 from vector<1x1x1xi32>
    %eq3A = vector.broadcast %get3A_16 : i32 to vector<400x400xi32>
    %eq3A_22 = arith.cmpi eq, %select_n3A_11, %eq3A : vector<400x400xi32>
    %convert_element_type3A = arith.extui %eq3A_22 : vector<400x400xi1> to vector<400x400xi32>
    %convert_element_type3A_23 = arith.sitofp %convert_element_type3A : vector<400x400xi32> to vector<400x400xf32>
    %convert_element_type3A_24 = arith.extui %gt3A : vector<400x400xi1> to vector<400x400xi32>
    %convert_element_type3A_25 = arith.sitofp %convert_element_type3A_24 : vector<400x400xi32> to vector<400x400xf32>
    %dot_general3A = arith.constant dense<0.000000e+00> : vector<400x400xf32>
    %dot_general3A_26 = tpu.matmul %convert_element_type3A_23, %convert_element_type3A_25, %dot_general3A {dimension_numbers = #tpu.dot_dimension_numbers<[1], [0], [0], [1], [0, 0, 1, 1], [], []>, transpose_lhs_hint = false} : vector<400x400xf32>, vector<400x400xf32>, vector<400x400xf32> -> vector<400x400xf32>
    %reduce_sum3A = arith.constant dense<0.000000e+00> : vector<400xf32>
    %reduce_sum3A_27 = vector.multi_reduction <add>, %convert_element_type3A_23, %reduce_sum3A [1] : vector<400x400xf32> to vector<400xf32>
    %dot_general3A_28 = arith.constant dense<0.000000e+00> : vector<400xf32>
    %dot_general3A_29 = tpu.matmul %reduce_sum3A_27, %convert_element_type3A_25, %dot_general3A_28 {dimension_numbers = #tpu.dot_dimension_numbers<[0], [0], [], [1], [1, 1], [], []>, transpose_lhs_hint = false} : vector<400xf32>, vector<400x400xf32>, vector<400xf32> -> vector<400xf32>
    %broadcast_in_dim3A_30 = vector.shape_cast %dot_general3A_29 : vector<400xf32> to vector<400x1xf32>
    %add3A = vector.broadcast %broadcast_in_dim3A_30 : vector<400x1xf32> to vector<400x400xf32>
    %add3A_31 = arith.addf %add3A, %dot_general3A_26 : vector<400x400xf32>
    %gt3A_32 = arith.constant 0.000000e+00 : f32
    %gt3A_33 = vector.broadcast %gt3A_32 : f32 to vector<400x400xf32>
    %gt3A_34 = arith.cmpf ogt, %convert_element_type3A_23, %gt3A_33 : vector<400x400xf32>
    %convert_element_type3A_35 = arith.sitofp %get3A_21 : i32 to f32
    %lt3A_36 = vector.broadcast %convert_element_type3A_35 : f32 to vector<400x400xf32>
    %lt3A_37 = arith.cmpf olt, %add3A_31, %lt3A_36 : vector<400x400xf32>
    %and3A = arith.andi %gt3A_34, %lt3A_37 : vector<400x400xi1>
    %gt3A_38 = vector.broadcast %get3A_16 : i32 to vector<400x400xi32>
    %gt3A_39 = arith.cmpi sgt, %select_n3A_11, %gt3A_38 : vector<400x400xi32>
    %or3A = arith.ori %gt3A_39, %and3A : vector<400x400xi1>
    %jit3A_40 = arith.constant 1.000000e+00 : f32
    %jit3A_41 = arith.constant 0.000000e+00 : f32
    %broadcast_in_dim3A_42 = vector.broadcast %jit3A_40 : f32 to vector<400x400xf32>
    %broadcast_in_dim3A_43 = vector.broadcast %jit3A_41 : f32 to vector<400x400xf32>
    %select_n3A_44 = arith.select %or3A, %broadcast_in_dim3A_42, %broadcast_in_dim3A_43 : vector<400x400xi1>, vector<400x400xf32>
    %transpose3A = tpu.transpose %select_n3A_44, [1, 0] : vector<400x400xf32> -> vector<400x400xf32>
    %add3A_45 = arith.addf %select_n3A_44, %transpose3A : vector<400x400xf32>
    %eq3A_46 = arith.cmpi eq, %iota3A_8, %iota3A : vector<400x400xi32>
    %jit3A_47 = arith.constant 1.000000e+00 : f32
    %jit3A_48 = arith.constant 0.000000e+00 : f32
    %broadcast_in_dim3A_49 = vector.broadcast %jit3A_47 : f32 to vector<400x400xf32>
    %broadcast_in_dim3A_50 = vector.broadcast %jit3A_48 : f32 to vector<400x400xf32>
    %select_n3A_51 = arith.select %eq3A_46, %broadcast_in_dim3A_49, %broadcast_in_dim3A_50 : vector<400x400xi1>, vector<400x400xf32>
    %add3A_52 = arith.addf %add3A_45, %select_n3A_51 : vector<400x400xf32>
    %transpose3A_53 = tpu.transpose %select_n3A_44, [1, 0] : vector<400x400xf32> -> vector<400x400xf32>
    %add3A_54 = arith.addf %select_n3A_44, %transpose3A_53 : vector<400x400xf32>
    %reduce_sum3A_55 = arith.constant dense<0.000000e+00> : vector<400xf32>
    %reduce_sum3A_56 = vector.multi_reduction <add>, %add3A_54, %reduce_sum3A_55 [1] : vector<400x400xf32> to vector<400xf32>
    %add3A_57 = arith.constant 1.000000e+00 : f32
    %add3A_58 = vector.broadcast %add3A_57 : f32 to vector<400xf32>
    %add3A_59 = arith.addf %reduce_sum3A_56, %add3A_58 : vector<400xf32>
    %rsqrt3A = math.rsqrt %add3A_59 : vector<400xf32>
    %broadcast_in_dim3A_60 = vector.shape_cast %rsqrt3A : vector<400xf32> to vector<400x1xf32>
    %mul3A = vector.broadcast %broadcast_in_dim3A_60 : vector<400x1xf32> to vector<400x400xf32>
    %mul3A_61 = arith.mulf %mul3A, %add3A_52 : vector<400x400xf32>
    %broadcast_in_dim3A_62 = vector.shape_cast %rsqrt3A : vector<400xf32> to vector<1x400xf32>
    %mul3A_63 = vector.broadcast %broadcast_in_dim3A_62 : vector<1x400xf32> to vector<400x400xf32>
    %mul3A_64 = arith.mulf %mul3A_61, %mul3A_63 : vector<400x400xf32>
    %get3A_65 = arith.constant 0 : index
    %get3A_66 = arith.constant 0 : index
    %get3A_67 = vector.load %arg3[%get3A_65, %get3A_66] : memref<32x400xf32, #tpu.memory_space<vmem>>, vector<32x400xf32>
    %dot_general3A_68 = arith.constant dense<0.000000e+00> : vector<400x32xf32>
    %dot_general3A_69 = tpu.matmul %get3A_3, %get3A_67, %dot_general3A_68 {dimension_numbers = #tpu.dot_dimension_numbers<[1], [1], [0], [0], [0, 0, 1, 0], [], []>, transpose_lhs_hint = false} : vector<400x400xf32>, vector<32x400xf32>, vector<400x32xf32> -> vector<400x32xf32>
    %dot_general3A_70 = arith.constant dense<0.000000e+00> : vector<400x32xf32>
    %dot_general3A_71 = tpu.matmul %mul3A_64, %dot_general3A_69, %dot_general3A_70 {dimension_numbers = #tpu.dot_dimension_numbers<[1], [0], [0], [1], [0, 0, 1, 1], [], []>, transpose_lhs_hint = false} : vector<400x400xf32>, vector<400x32xf32>, vector<400x32xf32> -> vector<400x32xf32>
    %get3A_72 = arith.constant 0 : index
    %get3A_73 = arith.constant 0 : index
    %get3A_74 = vector.load %arg4[%get3A_72, %get3A_73] : memref<1x32xf32, #tpu.memory_space<vmem>>, vector<1x32xf32>
    %get3A_75 = vector.shape_cast %get3A_74 : vector<1x32xf32> to vector<32xf32>
    %broadcast_in_dim3A_76 = vector.shape_cast %get3A_75 : vector<32xf32> to vector<1x32xf32>
    %add3A_77 = vector.broadcast %broadcast_in_dim3A_76 : vector<1x32xf32> to vector<400x32xf32>
    %add3A_78 = arith.addf %dot_general3A_71, %add3A_77 : vector<400x32xf32>
    %tanh3A = math.tanh %add3A_78 : vector<400x32xf32>
    %get3A_79 = arith.constant 0 : index
    %get3A_80 = arith.constant 0 : index
    %get3A_81 = vector.load %arg5[%get3A_79, %get3A_80] : memref<32x32xf32, #tpu.memory_space<vmem>>, vector<32x32xf32>
    %dot_general3A_82 = arith.constant dense<0.000000e+00> : vector<400x32xf32>
    %dot_general3A_83 = tpu.matmul %tanh3A, %get3A_81, %dot_general3A_82 {dimension_numbers = #tpu.dot_dimension_numbers<[1], [1], [0], [0], [0, 0, 1, 0], [], []>, transpose_lhs_hint = false} : vector<400x32xf32>, vector<32x32xf32>, vector<400x32xf32> -> vector<400x32xf32>
    %dot_general3A_84 = arith.constant dense<0.000000e+00> : vector<400x32xf32>
    %dot_general3A_85 = tpu.matmul %mul3A_64, %dot_general3A_83, %dot_general3A_84 {dimension_numbers = #tpu.dot_dimension_numbers<[1], [0], [0], [1], [0, 0, 1, 1], [], []>, transpose_lhs_hint = false} : vector<400x400xf32>, vector<400x32xf32>, vector<400x32xf32> -> vector<400x32xf32>
    %get3A_86 = arith.constant 0 : index
    %get3A_87 = arith.constant 0 : index
    %get3A_88 = vector.load %arg6[%get3A_86, %get3A_87] : memref<1x32xf32, #tpu.memory_space<vmem>>, vector<1x32xf32>
    %get3A_89 = vector.shape_cast %get3A_88 : vector<1x32xf32> to vector<32xf32>
    %broadcast_in_dim3A_90 = vector.shape_cast %get3A_89 : vector<32xf32> to vector<1x32xf32>
    %add3A_91 = vector.broadcast %broadcast_in_dim3A_90 : vector<1x32xf32> to vector<400x32xf32>
    %add3A_92 = arith.addf %dot_general3A_85, %add3A_91 : vector<400x32xf32>
    %tanh3A_93 = math.tanh %add3A_92 : vector<400x32xf32>
    %reduce_sum3A_94 = arith.constant dense<0.000000e+00> : vector<32xf32>
    %reduce_sum3A_95 = vector.multi_reduction <add>, %tanh3A, %reduce_sum3A_94 [0] : vector<400x32xf32> to vector<32xf32>
    %div3A = arith.constant 4.000000e+02 : f32
    %div3A_96 = vector.broadcast %div3A : f32 to vector<32xf32>
    %div3A_97 = arith.divf %reduce_sum3A_95, %div3A_96 : vector<32xf32>
    %reduce_sum3A_98 = arith.constant dense<0.000000e+00> : vector<32xf32>
    %reduce_sum3A_99 = vector.multi_reduction <add>, %tanh3A_93, %reduce_sum3A_98 [0] : vector<400x32xf32> to vector<32xf32>
    %div3A_100 = arith.constant 4.000000e+02 : f32
    %div3A_101 = vector.broadcast %div3A_100 : f32 to vector<32xf32>
    %div3A_102 = arith.divf %reduce_sum3A_99, %div3A_101 : vector<32xf32>
    %concatenate3A = tpu.concatenate %div3A_97, %div3A_102 in 0 : vector<32xf32>, vector<32xf32> -> vector<64xf32>
    %swap3A = arith.constant 0 : index
    %swap3A_103 = arith.constant 0 : index
    %swap3A_104 = arith.constant 0 : index
    %swap3A_105 = vector.load %arg7[%swap3A, %swap3A_103, %swap3A_104] : memref<1x1x64xf32, #tpu.memory_space<vmem>>, vector<1x1x64xf32>
    %swap3A_106 = vector.shape_cast %swap3A_105 : vector<1x1x64xf32> to vector<64xf32>
    %swap3A_107 = vector.shape_cast %concatenate3A : vector<64xf32> to vector<1x1x64xf32>
    tpu.vector_store %arg7[%swap3A, %swap3A_103, %swap3A_104], %swap3A_107 {strides = array<i32>} : memref<1x1x64xf32, #tpu.memory_space<vmem>>, vector<1x1x64xf32>,
    return
  }
  func.func @transform_0(%arg0: i32) -> (i32, i32, i32) {
    %c0_i32 = arith.constant 0 : i32
    %c0_i32_0 = arith.constant 0 : i32
    %c0_i32_1 = arith.constant 0 : i32
    return %arg0, %c0_i32, %c0_i32_0 : i32, i32, i32
  }
  func.func @transform_1(%arg0: i32) -> (i32, i32, i32) {
    %c0_i32 = arith.constant 0 : i32
    %c0_i32_0 = arith.constant 0 : i32
    %c0_i32_1 = arith.constant 0 : i32
    return %arg0, %c0_i32, %c0_i32_0 : i32, i32, i32
  }
  func.func @transform_2(%arg0: i32) -> (i32, i32) {
    %c0_i32 = arith.constant 0 : i32
    %c0_i32_0 = arith.constant 0 : i32
    %c0_i32_1 = arith.constant 0 : i32
    return %c0_i32, %c0_i32_0 : i32, i32
  }
  func.func @transform_3(%arg0: i32) -> (i32, i32) {
    %c0_i32 = arith.constant 0 : i32
    %c0_i32_0 = arith.constant 0 : i32
    %c0_i32_1 = arith.constant 0 : i32
    return %c0_i32, %c0_i32_0 : i32, i32
  }
  func.func @transform_4(%arg0: i32) -> (i32, i32) {
    %c0_i32 = arith.constant 0 : i32
    %c0_i32_0 = arith.constant 0 : i32
    %c0_i32_1 = arith.constant 0 : i32
    return %c0_i32, %c0_i32_0 : i32, i32
  }
  func.func @transform_5(%arg0: i32) -> (i32, i32) {
    %c0_i32 = arith.constant 0 : i32
    %c0_i32_0 = arith.constant 0 : i32
    %c0_i32_1 = arith.constant 0 : i32
    return %c0_i32, %c0_i32_0 : i32, i32
  }
  func.func @transform_6(%arg0: i32) -> (i32, i32, i32) {
    %c0_i32 = arith.constant 0 : i32
    %c0_i32_0 = arith.constant 0 : i32
    %c0_i32_1 = arith.constant 0 : i32
    return %arg0, %c0_i32, %c0_i32_0 : i32, i32, i32
  }
}

module attributes {stable_mosaic.version = 14 : i64} {
  func.func @_mlp_kernel(%arg0: i32, %arg1: memref<16x8192xf32, #tpu.memory_space<vmem>>, %arg2: memref<64x8192xf32, #tpu.memory_space<vmem>>, %arg3: memref<16x64xf32, #tpu.memory_space<vmem>>, %arg4: memref<64x64xf32, #tpu.memory_space<vmem>>, %arg5: memref<32x64xf32, #tpu.memory_space<vmem>>, %arg6: memref<1x32xf32, #tpu.memory_space<vmem>>, %arg7: memref<256x32xf32, #tpu.memory_space<vmem>>, %arg8: memref<1x256xf32, #tpu.memory_space<vmem>>, %arg9: memref<1x64xf32, #tpu.memory_space<vmem>>, %arg10: memref<16x256xf32, #tpu.memory_space<vmem>>, %arg11: memref<16x64xf32, #tpu.memory_space<vmem>>) attributes {dimension_semantics = [#tpu.dimension_semantics<arbitrary>], iteration_bounds = array<i64: 10>, scalar_prefetch = 0 : i64, scratch_operands = 1 : i64, tpu.core_type = #tpu.core_type<tc>, window_params = [{transform_indices = @transform_0, window_bounds = array<i64: 16, 8192>}, {transform_indices = @transform_1, window_bounds = array<i64: 64, 8192>}, {pipeline_mode = #tpu.pipeline_mode<synchronous>, transform_indices = @transform_2, window_bounds = array<i64: 16, 64>}, {pipeline_mode = #tpu.pipeline_mode<synchronous>, transform_indices = @transform_3, window_bounds = array<i64: 64, 64>}, {pipeline_mode = #tpu.pipeline_mode<synchronous>, transform_indices = @transform_4, window_bounds = array<i64: 32, 64>}, {pipeline_mode = #tpu.pipeline_mode<synchronous>, transform_indices = @transform_5, window_bounds = array<i64: 1, 32>}, {pipeline_mode = #tpu.pipeline_mode<synchronous>, transform_indices = @transform_6, window_bounds = array<i64: 256, 32>}, {pipeline_mode = #tpu.pipeline_mode<synchronous>, transform_indices = @transform_7, window_bounds = array<i64: 1, 256>}, {pipeline_mode = #tpu.pipeline_mode<synchronous>, transform_indices = @transform_8, window_bounds = array<i64: 1, 64>}, {pipeline_mode = #tpu.pipeline_mode<synchronous>, transform_indices = @transform_9, window_bounds = array<i64: 16, 256>}]} {
    %eq3A = arith.constant 0 : i32
    %eq3A_0 = arith.cmpi eq, %arg0, %eq3A : i32
    %convert_element_type3A = arith.extui %eq3A_0 : i1 to i32
    %cond3A = arith.constant 0 : i32
    %cond3A_1 = arith.cmpi ne, %convert_element_type3A, %cond3A : i32
    scf.if %cond3A_1 {
      %broadcast_in_dim3A_27 = arith.constant 0.000000e+00 : f32
      %broadcast_in_dim3A_28 = vector.broadcast %broadcast_in_dim3A_27 : f32 to vector<16x64xf32>
      %swap3A_29 = arith.constant 0 : index
      %swap3A_30 = arith.constant 0 : index
      %swap3A_31 = vector.load %arg11[%swap3A_29, %swap3A_30] : memref<16x64xf32, #tpu.memory_space<vmem>>, vector<16x64xf32>
      tpu.vector_store %arg11[%swap3A_29, %swap3A_30], %broadcast_in_dim3A_28 {strides = array<i32>} : memref<16x64xf32, #tpu.memory_space<vmem>>, vector<16x64xf32>,
    } else {
    }
    %mul3A = arith.constant 8192 : i32
    %mul3A_2 = arith.muli %arg0, %mul3A : i32
    %sub3A = arith.constant 80200 : i32
    %sub3A_3 = arith.subi %sub3A, %mul3A_2 : i32
    %iota3A = tpu.iota {dimensions = array<i32: 1>} : vector<64x8192xi32>
    %lt3A = vector.broadcast %sub3A_3 : i32 to vector<64x8192xi32>
    %lt3A_4 = arith.cmpi slt, %iota3A, %lt3A : vector<64x8192xi32>
    %get3A = arith.constant 0 : index
    %get3A_5 = arith.constant 0 : index
    %get3A_6 = vector.load %arg2[%get3A, %get3A_5] : memref<64x8192xf32, #tpu.memory_space<vmem>>, vector<64x8192xf32>
    %jit3A = arith.constant 0.000000e+00 : f32
    %broadcast_in_dim3A = vector.broadcast %jit3A : f32 to vector<64x8192xf32>
    %select_n3A = arith.select %lt3A_4, %get3A_6, %broadcast_in_dim3A : vector<64x8192xi1>, vector<64x8192xf32>
    %iota3A_7 = tpu.iota {dimensions = array<i32: 1>} : vector<16x8192xi32>
    %lt3A_8 = vector.broadcast %sub3A_3 : i32 to vector<16x8192xi32>
    %lt3A_9 = arith.cmpi slt, %iota3A_7, %lt3A_8 : vector<16x8192xi32>
    %get3A_10 = arith.constant 0 : index
    %get3A_11 = arith.constant 0 : index
    %get3A_12 = vector.load %arg1[%get3A_10, %get3A_11] : memref<16x8192xf32, #tpu.memory_space<vmem>>, vector<16x8192xf32>
    %jit3A_13 = arith.constant 0.000000e+00 : f32
    %broadcast_in_dim3A_14 = vector.broadcast %jit3A_13 : f32 to vector<16x8192xf32>
    %select_n3A_15 = arith.select %lt3A_9, %get3A_12, %broadcast_in_dim3A_14 : vector<16x8192xi1>, vector<16x8192xf32>
    %get3A_16 = arith.constant 0 : index
    %get3A_17 = arith.constant 0 : index
    %get3A_18 = vector.load %arg11[%get3A_16, %get3A_17] : memref<16x64xf32, #tpu.memory_space<vmem>>, vector<16x64xf32>
    %dot_general3A = arith.constant dense<0.000000e+00> : vector<16x64xf32>
    %dot_general3A_19 = tpu.matmul %select_n3A_15, %select_n3A, %dot_general3A {dimension_numbers = #tpu.dot_dimension_numbers<[1], [1], [0], [0], [0, 0, 1, 0], [], []>, transpose_lhs_hint = false} : vector<16x8192xf32>, vector<64x8192xf32>, vector<16x64xf32> -> vector<16x64xf32>
    %add3A = arith.addf %get3A_18, %dot_general3A_19 : vector<16x64xf32>
    %swap3A = arith.constant 0 : index
    %swap3A_20 = arith.constant 0 : index
    %swap3A_21 = vector.load %arg11[%swap3A, %swap3A_20] : memref<16x64xf32, #tpu.memory_space<vmem>>, vector<16x64xf32>
    tpu.vector_store %arg11[%swap3A, %swap3A_20], %add3A {strides = array<i32>} : memref<16x64xf32, #tpu.memory_space<vmem>>, vector<16x64xf32>,
    %eq3A_22 = arith.constant 9 : i32
    %eq3A_23 = arith.cmpi eq, %arg0, %eq3A_22 : i32
    %convert_element_type3A_24 = arith.extui %eq3A_23 : i1 to i32
    %cond3A_25 = arith.constant 0 : i32
    %cond3A_26 = arith.cmpi ne, %convert_element_type3A_24, %cond3A_25 : i32
    scf.if %cond3A_26 {
      %get3A_27 = arith.constant 0 : index
      %get3A_28 = arith.constant 0 : index
      %get3A_29 = vector.load %arg11[%get3A_27, %get3A_28] : memref<16x64xf32, #tpu.memory_space<vmem>>, vector<16x64xf32>
      %get3A_30 = arith.constant 0 : index
      %get3A_31 = arith.constant 0 : index
      %get3A_32 = vector.load %arg3[%get3A_30, %get3A_31] : memref<16x64xf32, #tpu.memory_space<vmem>>, vector<16x64xf32>
      %get3A_33 = arith.constant 0 : index
      %get3A_34 = arith.constant 0 : index
      %get3A_35 = vector.load %arg4[%get3A_33, %get3A_34] : memref<64x64xf32, #tpu.memory_space<vmem>>, vector<64x64xf32>
      %dot_general3A_36 = arith.constant dense<0.000000e+00> : vector<16x64xf32>
      %dot_general3A_37 = tpu.matmul %get3A_32, %get3A_35, %dot_general3A_36 {dimension_numbers = #tpu.dot_dimension_numbers<[1], [1], [0], [0], [0, 0, 1, 0], [], []>, transpose_lhs_hint = false} : vector<16x64xf32>, vector<64x64xf32>, vector<16x64xf32> -> vector<16x64xf32>
      %add3A_38 = arith.addf %get3A_29, %dot_general3A_37 : vector<16x64xf32>
      %mul3A_39 = arith.constant 0.999989986 : f32
      %mul3A_40 = vector.broadcast %mul3A_39 : f32 to vector<16x64xf32>
      %mul3A_41 = arith.mulf %add3A_38, %mul3A_40 : vector<16x64xf32>
      %get3A_42 = arith.constant 0 : index
      %get3A_43 = arith.constant 0 : index
      %get3A_44 = vector.load %arg9[%get3A_42, %get3A_43] : memref<1x64xf32, #tpu.memory_space<vmem>>, vector<1x64xf32>
      %get3A_45 = vector.shape_cast %get3A_44 : vector<1x64xf32> to vector<64xf32>
      %broadcast_in_dim3A_46 = vector.shape_cast %get3A_45 : vector<64xf32> to vector<1x64xf32>
      %mul3A_47 = arith.constant 0.999994993 : f32
      %mul3A_48 = vector.broadcast %mul3A_47 : f32 to vector<1x64xf32>
      %mul3A_49 = arith.mulf %broadcast_in_dim3A_46, %mul3A_48 : vector<1x64xf32>
      %add3A_50 = vector.broadcast %mul3A_49 : vector<1x64xf32> to vector<16x64xf32>
      %add3A_51 = arith.addf %mul3A_41, %add3A_50 : vector<16x64xf32>
      %max3A = arith.constant 0.000000e+00 : f32
      %max3A_52 = vector.broadcast %max3A : f32 to vector<16x64xf32>
      %max3A_53 = arith.maximumf %add3A_51, %max3A_52 : vector<16x64xf32>
      %get3A_54 = arith.constant 0 : index
      %get3A_55 = arith.constant 0 : index
      %get3A_56 = vector.load %arg5[%get3A_54, %get3A_55] : memref<32x64xf32, #tpu.memory_space<vmem>>, vector<32x64xf32>
      %dot_general3A_57 = arith.constant dense<0.000000e+00> : vector<16x32xf32>
      %dot_general3A_58 = tpu.matmul %max3A_53, %get3A_56, %dot_general3A_57 {dimension_numbers = #tpu.dot_dimension_numbers<[1], [1], [0], [0], [0, 0, 1, 0], [], []>, transpose_lhs_hint = false} : vector<16x64xf32>, vector<32x64xf32>, vector<16x32xf32> -> vector<16x32xf32>
      %get3A_59 = arith.constant 0 : index
      %get3A_60 = arith.constant 0 : index
      %get3A_61 = vector.load %arg6[%get3A_59, %get3A_60] : memref<1x32xf32, #tpu.memory_space<vmem>>, vector<1x32xf32>
      %get3A_62 = vector.shape_cast %get3A_61 : vector<1x32xf32> to vector<32xf32>
      %broadcast_in_dim3A_63 = vector.shape_cast %get3A_62 : vector<32xf32> to vector<1x32xf32>
      %add3A_64 = vector.broadcast %broadcast_in_dim3A_63 : vector<1x32xf32> to vector<16x32xf32>
      %add3A_65 = arith.addf %dot_general3A_58, %add3A_64 : vector<16x32xf32>
      %mul3A_66 = arith.constant 0.999994993 : f32
      %mul3A_67 = vector.broadcast %mul3A_66 : f32 to vector<16x32xf32>
      %mul3A_68 = arith.mulf %add3A_65, %mul3A_67 : vector<16x32xf32>
      %max3A_69 = arith.constant 0.000000e+00 : f32
      %max3A_70 = vector.broadcast %max3A_69 : f32 to vector<16x32xf32>
      %max3A_71 = arith.maximumf %mul3A_68, %max3A_70 : vector<16x32xf32>
      %get3A_72 = arith.constant 0 : index
      %get3A_73 = arith.constant 0 : index
      %get3A_74 = vector.load %arg7[%get3A_72, %get3A_73] : memref<256x32xf32, #tpu.memory_space<vmem>>, vector<256x32xf32>
      %dot_general3A_75 = arith.constant dense<0.000000e+00> : vector<16x256xf32>
      %dot_general3A_76 = tpu.matmul %max3A_71, %get3A_74, %dot_general3A_75 {dimension_numbers = #tpu.dot_dimension_numbers<[1], [1], [0], [0], [0, 0, 1, 0], [], []>, transpose_lhs_hint = false} : vector<16x32xf32>, vector<256x32xf32>, vector<16x256xf32> -> vector<16x256xf32>
      %get3A_77 = arith.constant 0 : index
      %get3A_78 = arith.constant 0 : index
      %get3A_79 = vector.load %arg8[%get3A_77, %get3A_78] : memref<1x256xf32, #tpu.memory_space<vmem>>, vector<1x256xf32>
      %get3A_80 = vector.shape_cast %get3A_79 : vector<1x256xf32> to vector<256xf32>
      %broadcast_in_dim3A_81 = vector.shape_cast %get3A_80 : vector<256xf32> to vector<1x256xf32>
      %add3A_82 = vector.broadcast %broadcast_in_dim3A_81 : vector<1x256xf32> to vector<16x256xf32>
      %add3A_83 = arith.addf %dot_general3A_76, %add3A_82 : vector<16x256xf32>
      %max3A_84 = arith.constant 0.000000e+00 : f32
      %max3A_85 = vector.broadcast %max3A_84 : f32 to vector<16x256xf32>
      %max3A_86 = arith.maximumf %add3A_83, %max3A_85 : vector<16x256xf32>
      %swap3A_87 = arith.constant 0 : index
      %swap3A_88 = arith.constant 0 : index
      %swap3A_89 = vector.load %arg10[%swap3A_87, %swap3A_88] : memref<16x256xf32, #tpu.memory_space<vmem>>, vector<16x256xf32>
      tpu.vector_store %arg10[%swap3A_87, %swap3A_88], %max3A_86 {strides = array<i32>} : memref<16x256xf32, #tpu.memory_space<vmem>>, vector<16x256xf32>,
    } else {
    }
    return
  }
  func.func @transform_0(%arg0: i32) -> (i32, i32) {
    %c0_i32 = arith.constant 0 : i32
    %c0_i32_0 = arith.constant 0 : i32
    return %c0_i32, %arg0 : i32, i32
  }
  func.func @transform_1(%arg0: i32) -> (i32, i32) {
    %c0_i32 = arith.constant 0 : i32
    %c0_i32_0 = arith.constant 0 : i32
    return %c0_i32, %arg0 : i32, i32
  }
  func.func @transform_2(%arg0: i32) -> (i32, i32) {
    %c0_i32 = arith.constant 0 : i32
    %c0_i32_0 = arith.constant 0 : i32
    %c0_i32_1 = arith.constant 0 : i32
    return %c0_i32, %c0_i32_0 : i32, i32
  }
  func.func @transform_3(%arg0: i32) -> (i32, i32) {
    %c0_i32 = arith.constant 0 : i32
    %c0_i32_0 = arith.constant 0 : i32
    %c0_i32_1 = arith.constant 0 : i32
    return %c0_i32, %c0_i32_0 : i32, i32
  }
  func.func @transform_4(%arg0: i32) -> (i32, i32) {
    %c0_i32 = arith.constant 0 : i32
    %c0_i32_0 = arith.constant 0 : i32
    %c0_i32_1 = arith.constant 0 : i32
    return %c0_i32, %c0_i32_0 : i32, i32
  }
  func.func @transform_5(%arg0: i32) -> (i32, i32) {
    %c0_i32 = arith.constant 0 : i32
    %c0_i32_0 = arith.constant 0 : i32
    %c0_i32_1 = arith.constant 0 : i32
    return %c0_i32, %c0_i32_0 : i32, i32
  }
  func.func @transform_6(%arg0: i32) -> (i32, i32) {
    %c0_i32 = arith.constant 0 : i32
    %c0_i32_0 = arith.constant 0 : i32
    %c0_i32_1 = arith.constant 0 : i32
    return %c0_i32, %c0_i32_0 : i32, i32
  }
  func.func @transform_7(%arg0: i32) -> (i32, i32) {
    %c0_i32 = arith.constant 0 : i32
    %c0_i32_0 = arith.constant 0 : i32
    %c0_i32_1 = arith.constant 0 : i32
    return %c0_i32, %c0_i32_0 : i32, i32
  }
  func.func @transform_8(%arg0: i32) -> (i32, i32) {
    %c0_i32 = arith.constant 0 : i32
    %c0_i32_0 = arith.constant 0 : i32
    %c0_i32_1 = arith.constant 0 : i32
    return %c0_i32, %c0_i32_0 : i32, i32
  }
  func.func @transform_9(%arg0: i32) -> (i32, i32) {
    %c0_i32 = arith.constant 0 : i32
    %c0_i32_0 = arith.constant 0 : i32
    %c0_i32_1 = arith.constant 0 : i32
    return %c0_i32, %c0_i32_0 : i32, i32
  }
}

</mosaic_0001>

<sc_bundles>
// kernel: gather_offload_async_start
scs
__scs_entry_jumppad:
0x0: {  	(pc) =	sbr.rel $0x88, $3  }
0x1: {  	(tag) =	ssettag $0x0;
	lr =	simm.s32 $0x1  }
0x2: {  	[smem:$0x3F96] =	sst lr;
	_ =	strace $0xD0000000  }
0x3: {  	_ = 	snop  }
0x4: {  	_ = 	snop  }
0x5: {  	_ = 	snop  }
0x6: {  	_ = 	snop  }
0x7: {  	_ = 	snop  }
__scs_overlays_trampoline_lowered:
0x8: {  	[smem:$0x3FA5] =	sst s0  }
0x9: {  	[smem:$0x3FA6] =	sst s1  }
0xa: {  	[smem:$0x3FA7] =	sst s2  }
0xb: {  	[smem:$0x3FA8] =	sst s3  }
0xc: {  	[smem:$0x3FA9] =	sst s4  }
0xd: {  	[smem:$0x3FAA] =	sst s5  }
0xe: {  	[smem:$0x3FAB] =	sst s6  }
0xf: {  	[smem:$0x3FAC] =	sst s7  }
0x10: {  	[smem:$0x3FAD] =	sst s8  }
0x11: {  	[smem:$0x3FAE] =	sst s9;
	s0 =	simm.s32 @!p0 $0x0  }
0x12: {  	s1 =	sld [smem:$0x3F94];
	s0 =	simm.s32 @p0 $0x1  }
0x13: {  	[smem:$0x3FAF] =	sst s0;
	s0 =	simm.s32 @!p1 $0x0  }
0x14: {  	s2 =	sld [smem:$0x3F93];
	s0 =	simm.s32 @p1 $0x1  }
0x15: {  	[smem:$0x3FB0] =	sst s0;
	s0 =	simm.s32 @!p2 $0x0  }
0x16: {  	s3 =	sld [smem:$0x3FDB];
	s0 =	simm.s32 @p2 $0x1  }
0x17: {  	s4 =	simm.s32 $0x1BF5;
	[smem:$0x3FB2] =	sst s0  }
0x18: {  	s0 =	sld [smem:$0x3F95];
	_ =	swait.ge [sflag:s4], $0x0  }
0x19: {  	s7 =	sld [smem:$0x3F96]  }
0x1a: {  	s8 =	sadd.s32 $0xFFFFE003, lr  }
0x1b: {  	s9 =	sadd.s32 $0xFFFFFEF7, lr;
	s5 =	simm.s32 $0xFFFFFFFF;
	p2 =	slt.u32 s8, $0xFFFFF086  }
0x1c: {  	p1 =	slt.u32 s9, $0xF7A;
	s5 =	simm.s32 @!p2 $0x0  }
0x1d: {  	s5 =	simm.s32 @p1 $0x1;
	p0 =	seq.s32 s7, s2  }
0x1e: {  	s7 =	smul.u32 @!p0 $0xF7A, s2;
	p2 =	seq.s32 @!p0 s5, $0x0  }
0x1f: {  	s9 =	smul.u32 $0xF7A, s1;
	s8 =	simm.s32 @!p0 $0x1BF5;
	p2 =	por !p2, p0  }
0x20: {  	[sflag:s8] =	ssyncset.s32 @!p0 $0xFFFFF086;
	s6 =	sadd.s32 @!p0 s3, s7;
	s7 =	simm.s32 @!p0 $0x108  }
0x21: {  	s3 =	sadd.s32 s3, s9;
	s6 =	sadd.s32 @!p0 $0x88, s6;
	s7 =	simm.s32 @p2 $0x1082  }
0x22: {  	[simem:s7], [sflag:s8] =	dma.local @!p0 [hbm:s6], $0xF7A  }
0x23: {  	s9 =	sor.u32 $0xD0000000, s2;
	s6 =	simm.s32 $0x108;
	_ =	swait.ge @!p0 [sflag:s8], $0x0  }
0x24: {  	s3 =	sadd.s32 $0x88, s3;
	s6 =	simm.s32 @!p1 $0x1082;
	[sflag:s4] =	ssyncset.s32 $0xFFFFF086  }
0x25: {  	[simem:s6], [sflag:s4] =	dma.local [hbm:s3], $0xF7A  }
0x26: {  	[smem:$0x3F96] =	sst s1;
	(tag) =	ssettag s2;
	_ =	strace s9  }
0x27: {  	s1 =	sld [smem:$0x3FA6]  }
0x28: {  	s2 =	sld [smem:$0x3FA7]  }
0x29: {  	s4 =	sld [smem:$0x3FA9]  }
0x2a: {  	p0 =	seq.s32 s5, $0x0;
	s5 =	sld [smem:$0x3FAA]  }
0x2b: {  	s6 =	sld [smem:$0x3FAB]  }
0x2c: {  	s7 =	sld [smem:$0x3FAC]  }
0x2d: {  	s3 =	simm.s32 $0x108;
	s8 =	sld [smem:$0x3FAD]  }
0x2e: {  	s3 =	simm.s32 @!p0 $0x1082;
	s9 =	sld [smem:$0x3FAE]  }
0x2f: {  	lr =	sadd.s32 s0, s3;
	s0 =	sld [smem:$0x3FA5]  }
0x30: {  	s3 =	sld [smem:$0x3FA8]  }
0x31: {  	[smem:$0x3FB1] =	sst s10  }
0x32: {  	s10 =	sld [smem:$0x3FAF];
	_ =	sdelay $0x3  }
0x33: {  	p0 =	seq.s32 s10, $0x1;
	s10 =	sld [smem:$0x3FB1];
	_ =	sdelay $0x3  }
0x34: {  	[smem:$0x3FB1] =	sst s10  }
0x35: {  	s10 =	sld [smem:$0x3FB0];
	_ =	sdelay $0x3  }
0x36: {  	p1 =	seq.s32 s10, $0x1;
	s10 =	sld [smem:$0x3FB1];
	_ =	sdelay $0x3  }
0x37: {  	[smem:$0x3FB1] =	sst s10  }
0x38: {  	s10 =	sld [smem:$0x3FB2]  }
0x39: {  	_ = 	snop;
	(pc) =	sbr.ind lr, $3  }
0x3a: {  	_ = 	snop  }
0x3b: {  	_ = 	snop  }
0x3c: {  	p2 =	seq.s32 s10, $0x1;
	s10 =	sld [smem:$0x3FB1]  }
0x3d: {  	_ =	shalt  }
0x3e: {  	_ =	shalt  }
0x3f: {  	_ =	shalt  }
0x40: {  	_ =	shalt  }
0x41: {  	_ =	shalt  }
0x42: {  	_ =	shalt  }
0x43: {  	_ =	shalt  }
0x44: {  	_ =	shalt  }
0x45: {  	_ =	shalt  }
0x46: {  	_ =	shalt  }
0x47: {  	_ =	shalt  }
0x48: {  	_ =	shalt  }
0x49: {  	_ =	shalt  }
0x4a: {  	_ =	shalt  }
0x4b: {  	_ =	shalt  }
0x4c: {  	_ =	shalt  }
0x4d: {  	_ =	shalt  }
0x4e: {  	_ =	shalt  }
0x4f: {  	_ =	shalt  }
0x50: {  	_ =	shalt  }
0x51: {  	_ =	shalt  }
0x52: {  	_ =	shalt  }
0x53: {  	_ =	shalt  }
0x54: {  	_ =	shalt  }
0x55: {  	_ =	shalt  }
0x56: {  	_ =	shalt  }
0x57: {  	_ =	shalt  }
0x58: {  	_ =	shalt  }
0x59: {  	_ =	shalt  }
0x5a: {  	_ =	shalt  }
0x5b: {  	_ =	shalt  }
0x5c: {  	_ =	shalt  }
0x5d: {  	_ =	shalt  }
0x5e: {  	_ =	shalt  }
0x5f: {  	_ =	shalt  }
0x60: {  	_ =	shalt  }
0x61: {  	_ =	shalt  }
0x62: {  	_ =	shalt  }
0x63: {  	_ =	shalt  }
0x64: {  	_ =	shalt  }
0x65: {  	_ =	shalt  }
0x66: {  	_ =	shalt  }
0x67: {  	_ =	shalt  }
0x68: {  	_ =	shalt  }
0x69: {  	_ =	shalt  }
0x6a: {  	_ =	shalt  }
0x6b: {  	_ =	shalt  }
0x6c: {  	_ =	shalt  }
0x6d: {  	_ =	shalt  }
0x6e: {  	_ =	shalt  }
0x6f: {  	_ =	shalt  }
0x70: {  	_ =	shalt  }
0x71: {  	_ =	shalt  }
0x72: {  	_ =	shalt  }
0x73: {  	_ =	shalt  }
0x74: {  	_ =	shalt  }
0x75: {  	_ =	shalt  }
0x76: {  	_ =	shalt  }
0x77: {  	_ =	shalt  }
0x78: {  	_ =	shalt  }
0x79: {  	_ =	shalt  }
0x7a: {  	_ =	shalt  }
0x7b: {  	_ =	shalt  }
0x7c: {  	_ =	shalt  }
0x7d: {  	_ =	shalt  }
0x7e: {  	_ =	shalt  }
0x7f: {  	_ =	shalt  }
0x80: {  	_ =	shalt  }
0x81: {  	_ =	shalt  }
0x82: {  	_ =	shalt  }
0x83: {  	_ =	shalt  }
0x84: {  	_ =	shalt  }
0x85: {  	_ =	shalt  }
0x86: {  	_ =	shalt  }
0x87: {  	_ =	shalt  }
.Lfunc_end0:
.L_simem_size_0:
called_computation_lowered:
.L_overlay_start_0:
0x88: {  	s0 =	sld [smem:$0x3FD9]  }
0x89: {  	s1 =	sld [smem:$0x3FFE];
	_ =	sdelay $0x3  }
0x8a: {  	s0 =	sadd.s32 s1, s0  }
0x8b: {  	[smem:$0x3FBD] =	sst s0  }
0x8c: {  	_ = 	snop  }
0x8d: {  	(tm) =	ssettm $0x1  }
0x8e: {  	s15 =	sld [smem:$0x3FFB];
	_ =	sdelay $0x3  }
0x8f: {  	_ =	strace s15  }
0x90: {  	s0 =	sld [smem:$0x3FFC];
	_ =	sdelay $0x3  }
0x91: {  	_ =	strace s0  }
0x92: {  	s0 =	sld [smem:$0x3FFD];
	_ =	sdelay $0x3  }
0x93: {  	_ =	strace s0  }
0x94: {  	_ =	strace $0x8FFFFFFF  }
0x95: {  	s16 =	sld [smem:$0x3FDB];
	_ =	sdelay $0x1  }
0x96: {  	s17 =	simm.s32 $_scs_section_size  }
0x97: {  	s2 =	simm.s32 $_size__tile_overlayer_lowered;
	s3 =	simm.s32 $_tile_overlayer_lowered  }
0x98: {  	s20 =	simm.s32 $0x1BFF;
	s19 =	sshll.u32 s3, $0x1;
	s0 =	sadd.s32 s17, s16  }
0x99: {  	s4 =	simm.s32 $0x0;
	s18 =	sshll.u32 s2, $0x1;
	s2 =	sadd.s32 s19, s0  }
0x9a: {  	[timem:s4], [sflag:s20] =	dma.local [hbm:s2], s18  }
0x9b: {  	_ =	swait.ge [sflag:s20], s18  }
0x9c: {  	s1 =	ssub.s32 $0x0, s18;
	[sflag:s20] =	ssyncset.done $0x0  }
0x9d: {  	[sflag:s20] =	ssyncadd.s32 s1;
	_ =	sdelay $0x1  }
0x9e: {  	s21 =	simm.s32 $0x1B8B  }
0x9f: {  	_ =	swait.ge [sflag:s21], $0x1  }
0xa0: {  	[sflag:s21] =	ssyncset.done $0x0  }
0xa1: {  	s23 =	simm.s32 $0x1B8E;
	s22 =	sld [smem:$0x3FFE];
	[sflag:s21] =	ssyncadd.s32 $0xFFFFFFFF  }
0xa2: {  	s24 =	simm.s32 $execute0_lowered;
	[smem:$0x3FD2] =	sst s23  }
0xa3: {  	s2 =	sshll.u32 s24, $0x1;
	_ =	strace $0x80000046;
	[dreg:$0x1] =	wrdreg $0xFFFFFFFF  }
0xa4: {  	s25 =	simm.s32 $_size_execute0_lowered;
	s0 =	sadd.s32 s0, s2;
	[dreg:$0x0] =	wrdreg $0x0  }
0xa5: {  	s2 =	sshll.u32 s25, $0x1;
	[dreg:$0x2] =	wrdreg s0  }
0xa6: {  	[dreg:$0x3] =	wrdreg s2  }
0xa7: {  	[dreg:$0x4] =	wrdreg $0xC0  }
0xa8: {  	_ =	task [dreg:s4], $0x5FFFF  }
0xa9: {  	[dreg:$0x1] =	wrdreg $0xFFFFFFFF  }
0xaa: {  	[dreg:$0x0] =	wrdreg $0x60  }
0xab: {  	[dreg:$0x2] =	wrdreg s22  }
0xac: {  	[dreg:$0x3] =	wrdreg $0x9  }
0xad: {  	_ =	task.clear_ibuf [dreg:s4], $0x4FFFF;
	_ =	strace $0x90000046  }
0xae: {  	s26 =	simm.s32 $0x9;
	_ =	strace $0x80000048  }
0xaf: {  	_ =	swait.ge [sflag:s26], $0x1  }
0xb0: {  	[sflag:s26] =	ssyncadd.s32 $0xFFFFFFFF  }
0xb1: {  	_ =	strace $0x90000048  }
0xb2: {  	_ =	sfence  }
0xb3: {  	s28 =	sld [smem:$0x0];
	_ =	sdelay $0x1  }
0xb4: {  	s29 =	srdreg.scid  }
0xb5: {  	s30 =	sshll.u32 s29, $0xD;
	s31 =	sshrl.u32 s29, $0x2  }
0xb6: {  	s1 =	sand.u32 $0x1, s29;
	s2 =	sand.u32 $0x4000, s30;
	s0 =	sadd.s32 s31, s28  }
0xb7: {  	s1 =	sor.u32 s2, s1;
	s0 =	sshll.u32 s0, $0x11  }
0xb8: {  	s0 =	sor.u32 s0, s1  }
0xb9: {  	s0 =	sadd.s32 $0x8F2B, s0  }
0xba: {  	[sflag:s0] =	ssyncadd.remote.s32 $0x1  }
0xbb: {  	_ =	sfence.sel $0xFFFF  }
0xbc: {  	[dreg:$0x0] =	wrdreg $0xFFFFFFFF;
	(pc) =	sbr.abs _section_cstart, $3  }
0xbd: {  	[dreg:$0x1] =	wrdreg $0xFFFFFFFF  }
0xbe: {  	_ =	task.clear_ibuf [dreg:s4], $0x2FFFF;
	_ =	strace $0x9FFFFFFF  }
0xbf: {  	(tm) =	ssettm $0x7FFFFFFF  }
tec
execute0_lowered:
.L_overlay_start_1:
0x0: {  	(tag) =	ssettag $0x1  }
0x1: {  	s0 =	stileid.u32  }
0x2: {  	s1 =	simm.s32 $0x1;
	p0 =	sne.s32 s0, $0x0;
	s2 =	smul.u32 $0x19, s0  }
0x3: {  	s1 =	simm.s32 @!p0 $0x0  }
0x4: {  	s1 =	sadd.s32 s1, s2  }
0x5: {  	p1 =	seq.s32 s0, $0x0;
	s0 =	simm.s32 $0x1450;
	s1 =	smul.u32 $0xC8, s1  }
0x6: {  	s0 =	simm.s32 @!p1 $0x1388  }
0x7: {  	s0 =	sadd.s32 s0, s1  }
0x8: {  	s2 =	smin.u32 s0, $0x13948  }
0x9: {  	s6 =	ssub.s32 s2, s1  }
0xa: {  	p1 =	sgt.s32 s6, $0x0  }
0xb: {  	s6 =	simm.s32 @!p1 $0x0  }
0xc: {  	s3 =	smulhi.u32 $0x51EB851F, s6  }
0xd: {  	s8 =	rddreg [dreg:$0x0];
	s5 =	simm.s32 $0x1;
	s10 =	simm.s32 $0x3  }
0xe: {  	s12 =	simm.s32 $0x0;
	s11 =	simm.s32 $0x0;
	s7 =	sshrl.u32 s3, $0x6  }
0xf: {  	s0 =	rddreg [dreg:$0x1];
	_ =	strace $0x80000047;
	s9 =	smul.u32 $0xC8, s7  }
.Ltmp0:
0x10: {  	s4 =	sadd.s32 $0x273800, s8;
	[sflag:s5] =	ssyncpa.u1 $0x0;
	(pc) =	sbr.rel .LBB2_1-.Ltmp0, $4  }
0x11: {  	s3 =	sadd.s32 $0x2800, s8;
	p1 =	sne.s32 s6, s9;
	s9 =	simm.s32 $0x1  }
0x12: {  	s8 =	sadd.s32 $0x276000, s8;
	s6 =	simm.s32 $0x2;
	s9 =	simm.s32 @!p1 $0x0  }
0x13: {  	[sflag:s6] =	ssyncpa.u1 $0x0;
	p1 =	por $0x0, $0x0;
	s7 =	sadd.s32 s9, s7  }
0x14: {  	vm0 =	vmmov $0xff;
	vm1 =	vcmask $0x3F20;
	[sflag:s10] =	ssyncpa.u1 $0x0;
	s10 =	smov.u32 s1;
	s9 =	sadd.s32 $0x1, s7  }
.LBB2_6:
0x15: {  	[hbm:s16] =	stream.linear.scatter [tilespmem:s13], [sflag:$0x3], $0x400, $0x38;
	[tilespmem:$0xC990] =	vst v63  }
.LBB2_7:
0x16: {  	s12 =	sadd.s32 $0xC8, s10  }
0x17: {  	s14 =	smov.u32 s1;
	p3 =	slt.s32 s12, s2  }
0x18: {  	s14 =	smov.u32 @p3 s12;
	p3 =	sne.s32 s11, s9  }
.Ltmp1:
0x19: {  	p2 =	slt.u32 s11, $0x2;
	(pc) =	sbr.rel @!p3 .LBB2_8-.Ltmp1, $4  }
0x1a: {  	s13 =	simm.s32 @!p2 $0x3  }
0x1b: {  	s15 =	sadd.s32 $0x1, s11;
	_ =	swait.ge @!p2 [sflag:s13], $0x6400  }
0x1c: {  	p1 =	por !p1, !p1;
	s12 =	smov.u32 s10;
	[sflag:s13] =	ssyncset.done @!p2 $0x0  }
0x1d: {  	s11 =	smov.u32 s15;
	s10 =	smov.u32 s14;
	[sflag:s13] =	ssyncadd.s32 @!p2 $0xFFFF9C00  }
.LBB2_1:
0x1e: {  	p2 =	sge.u32 s11, s7  }
0x1f: {  	s13 =	sxor.u32 @!p2 $0xFFFFFFFF, s11  }
0x20: {  	s13 =	sand.u32 @!p2 $0x1, s13  }
0x21: {  	s13 =	smul.u32 @!p2 $0x320, s13  }
0x22: {  	s31 =	sadd.s32 $0xFFFFFFFF, s11;
	s14 =	sshrl.u32 @!p2 s10, $0x3  }
0x23: {  	s15 =	sand.u32 @!p2 $0x7, s10;
	s14 =	sadd.s32 @!p2 s4, s14;
	s13 =	sshrl.u32 @!p2 s13, $0x2  }
0x24: {  	[tilespmem:s13], [sflag:$0x2] =	stream.linear.gather @!p2 [hbm4b:s14+s15], $0xC8, $0x38;
	[tilespmem:$0xC990] =	vst v63  }
0x25: {  	p2 =	sge.u32 s31, s7  }
.Ltmp2:
0x26: {  	_ = 	snop;
	(pc) =	sbr.rel @p2 .LBB2_7-.Ltmp2, $1  }
0x27: {  	_ =	sdelay $0x3  }
0x28: {  	s13 =	simm.s32 $0x1  }
0x29: {  	s13 =	simm.s32 @!p1 $0x0  }
0x2a: {  	s14 =	smul.u32 $0x320, s13  }
0x2b: {  	_ =	swait.ge [sflag:s6], $0xC8  }
0x2c: {  	[sflag:s6] =	ssyncset.done $0x0;
	s15 =	sshrl.u32 s14, $0x2  }
0x2d: {  	[sflag:s6] =	ssyncadd.s32 $0xFFFFFF38;
	s14 =	sadd.s32 $0x0, s15  }
0x2e: {  	v0 =	vld.msk [tilespmem:s14+$0x0 ss:$0x1], $0xffff;
	_ =	sdelay $0x4  }
0x2f: {  	vm2 =	vgt.s32 v0, $0x0  }
0x30: {  	v0 =	vnsel vm2, $0x0, v0  }
0x31: {  	v0 =	vmin.u32 v0, $0x270FF  }
0x32: {  	v0 =	vshll.u32 v0, $0x4  }
0x33: {  	s13 =	smul.u32 $0x19000, s13  }
0x34: {  	s31 =	sand.u32 $0x1, s11  }
0x35: {  	s16 =	smul.u32 $0x320, s31;
	s13 =	sshrl.u32 s13, $0x2  }
0x36: {  	s18 =	smul.u32 $0x19000, s31;
	s13 =	sor.u32 $0x190, s13  }
0x37: {  	[tilespmem:s13], [sflag:$0x1] =	stream.indirect_vreg.gather [hbm:s3], $0x80, v0, vm0, $0x38;
	[tilespmem:$0xC990] =	vst v63  }
0x38: {  	s17 =	sshrl.u32 s16, $0x2;
	s19 =	sadd.s32 $0x10, s15;
	s14 =	sadd.s32 $0x400, s13  }
0x39: {  	[tilespmem:s14], [sflag:$0x1] =	stream.indirect_vreg.gather [hbm:s3], $0x80, v0, vm1, $0x38;
	[tilespmem:$0xC990] =	vst v63  }
0x3a: {  	s16 =	sshrl.u32 s18, $0x2;
	s18 =	smov.u32 s13;
	v0 =	vld.msk [tilespmem:s19+$0x0 ss:$0x1], $0xffff;
	s19 =	simm.s32 $0x80  }
.LBB2_3:
0x3b: {  	p2 =	sne.s32 s19, $0x2C0;
	_ =	sdelay $0x4  }
0x3c: {  	vm2 =	vgt.s32 v0, $0x0  }
0x3d: {  	v0 =	vnsel vm2, $0x0, v0  }
0x3e: {  	v0 =	vmin.u32 v0, $0x270FF  }
0x3f: {  	v0 =	vshll.u32 v0, $0x4;
	_ =	sdelay $0x3  }
.Ltmp3:
0x40: {  	s20 =	sshra.s32 s19, $0x2;
	s18 =	sadd.s32 $0x800, s18;
	(pc) =	sbr.rel @p2 .LBB2_3-.Ltmp3, $4  }
0x41: {  	[tilespmem:s18], [sflag:$0x1] =	stream.indirect_vreg.gather [hbm:s3], $0x80, v0, vm0, $0x38;
	[tilespmem:$0xC990] =	vst v63  }
0x42: {  	s20 =	sadd.s32 s20, s15;
	s21 =	sadd.s32 $0x400, s18  }
0x43: {  	[tilespmem:s21], [sflag:$0x1] =	stream.indirect_vreg.gather [hbm:s3], $0x80, v0, vm1, $0x38;
	[tilespmem:$0xC990] =	vst v63  }
0x44: {  	s19 =	sadd.s32 $0x40, s19;
	v0 =	vld.msk [tilespmem:s20+$0x0 ss:$0x1], $0xffff  }
0x45: {  	_ =	sdelay $0x3  }
0x46: {  	vm2 =	vgt.s32 v0, $0x0  }
0x47: {  	v0 =	vnsel vm2, $0x0, v0  }
0x48: {  	v0 =	vmin.u32 v0, $0x270FF  }
0x49: {  	v0 =	vshll.u32 v0, $0x4;
	_ =	sdelay $0x3  }
0x4a: {  	s15 =	sadd.s32 $0x800, s18  }
0x4b: {  	[tilespmem:s15], [sflag:$0x1] =	stream.indirect_vreg.gather [hbm:s3], $0x80, v0, vm0, $0x38;
	[tilespmem:$0xC990] =	vst v63  }
0x4c: {  	s15 =	sadd.s32 $0x400, s15  }
0x4d: {  	[tilespmem:s15], [sflag:$0x1] =	stream.indirect_vreg.gather [hbm:s3], $0x80, v0, vm1, $0x38;
	[tilespmem:$0xC990] =	vst v63  }
0x4e: {  	v0 =	vld.msk [tilespmem:s17+$0xC0 ss:$0x1], $0xff;
	_ =	sdelay $0x4  }
0x4f: {  	vm2 =	vgt.s32 v0, $0x0  }
0x50: {  	v0 =	vnsel vm2, $0x0, v0  }
0x51: {  	v0 =	vmin.u32 v0, $0x270FF  }
0x52: {  	v0 =	vshll.u32 v0, $0x4;
	_ =	sdelay $0x3  }
0x53: {  	s31 =	sadd.s32 $0x6190, s16  }
0x54: {  	[tilespmem:s31], [sflag:$0x1] =	stream.indirect_vreg.gather [hbm:s3], $0x80, v0, vm0, $0x38;
	[tilespmem:$0xC990] =	vst v63  }
0x55: {  	s12 =	sshll.u32 s12, $0x4;
	_ =	swait.ge [sflag:s5], $0x6400  }
0x56: {  	s12 =	sadd.s32 s12, s8;
	[sflag:s5] =	ssyncset.done $0x0  }
0x57: {  	s16 =	sadd.s32 $0x0, s12;
	s15 =	simm.s32 $0x80;
	[sflag:s5] =	ssyncadd.s32 $0xFFFF9C00  }
.LBB2_5:
0x58: {  	[hbm:s16] =	stream.linear.scatter [tilespmem:s13], [sflag:$0x3], $0x400, $0x38;
	[tilespmem:$0xC990] =	vst v63  }
0x59: {  	s16 =	smov.u32 s15;
	s13 =	smov.u32 s14;
	p2 =	sne.s32 s15, $0xC00  }
.Ltmp4:
0x5a: {  	s15 =	sadd.s32 $0x80, s15;
	(pc) =	sbr.rel @p2 .LBB2_5-.Ltmp4, $2  }
0x5b: {  	_ =	sdelay $0x2  }
0x5c: {  	s14 =	sadd.s32 $0x400, s14;
	s16 =	sadd.s32 s16, s12  }
.Ltmp5:
0x5d: {  	_ = 	snop;
	(pc) =	sbr.rel .LBB2_6-.Ltmp5, $1  }
0x5e: {  	_ =	sdelay $0x3  }
.LBB2_8:
0x5f: {  	_ =	sfence.sel $0x180000  }
0x60: {  	s1 =	simm.s32 $0x2;
	[bflag:$0x0] =	sbarrier.arrive $0xFFFF  }
0x61: {  	s30 =	simm.s32 $0x3;
	[sflag:s1] =	ssyncpa.u1 $0x1  }
0x62: {  	s31 =	simm.s32 $0x1;
	[sflag:s30] =	ssyncpa.u1 $0x1  }
0x63: {  	[sflag:s31] =	ssyncpa.u1 $0x1  }
0x64: {  	_ =	strace $0x90000047  }
0x65: {  	s0 =	sadd.s32 @!p0 $0x100000, s0;
	[bflag:$0x2] =	sbarrier.arrive $0xFFFF  }
0x66: {  	[sflag:s0] =	ssyncadd.tile.s32 @!p0 $0x1;
	_ =	shalt  }
.Lfunc_end2:
_tile_overlayer_lowered:
.L_overlay_start_2:
0x67: {  	(tag) =	ssettag $0x2  }
0x68: {  	s0 =	rddreg [dreg:$0x0];
	s2 =	stileid.u32  }
0x69: {  	s1 =	rddreg [dreg:$0x1];
	p0 =	sne.s32 s2, $0x0  }
0x6a: {  	s3 =	rddreg [dreg:$0x2];
	[bflag:$0x3] =	sbarrier.arrive $0xFFFF;
	s2 =	simm.s32 @!p0 $0x1C01  }
0x6b: {  	[timem:s3], [sflag:s2] =	dma.local @!p0 [hbm:s0], s1  }
0x6c: {  	s0 =	simm.s32 @!p0 $0x1  }
0x6d: {  	_ =	swait.ge @!p0 [sflag:s0], s1  }
0x6e: {  	s1 =	ssub.s32 @!p0 $0x0, s1;
	[sflag:s0] =	ssyncset.done @!p0 $0x0  }
0x6f: {  	[sflag:s0] =	ssyncadd.s32 @!p0 s1  }
0x70: {  	[bflag:$0x3] =	sbarrier.arrive $0xFFFF  }
0x71: {  	_ =	shalt  }

</sc_bundles>
